<compile_context>
chip_gen: v7x
topology: tpu7x:2x2x1
jax: 0.10.2.dev20260603
libtpu: 0.0.44.dev20260713+nightly
codegen_flags: <defaults>
</compile_context>

<pallas_src>
import functools

import jax
import jax.numpy as jnp
from jax import lax
from jax.experimental import pallas as pl
from jax.experimental.pallas import tpu as pltpu
from jax.experimental.pallas import tpu_sc as plsc

B = 16384
H = 128
NC = 2
NS = 16
NW = NC * NS
ROWS_W = B // NW
CH = 128
NCH = ROWS_W // CH

BT = 2048


def _gather_body(tt_hbm, tid_hbm, st_hbm, sid_hbm, t_out, s_out,
                 tidx_v, sidx_v, rows_v, dsem):
  wid = lax.axis_index("s") * NC + lax.axis_index("c")
  base = wid * ROWS_W
  pltpu.sync_copy(sid_hbm.at[wid], sidx_v)
  pltpu.sync_copy(tid_hbm.at[wid], tidx_v)
  waits = []
  for c in range(NCH):
    waits.append(pltpu.async_copy(
        st_hbm.at[sidx_v.at[c]], rows_v.at[pl.ds(c * CH, CH)], dsem))
  for w in waits:
    w.wait()
  pltpu.sync_copy(rows_v, s_out.at[pl.ds(base, ROWS_W)])
  waits = []
  for c in range(NCH):
    waits.append(pltpu.async_copy(
        tt_hbm.at[tidx_v.at[c]], rows_v.at[pl.ds(c * CH, CH)], dsem))
  for w in waits:
    w.wait()
  pltpu.sync_copy(rows_v, t_out.at[pl.ds(base, ROWS_W)])


@functools.cache
def _gather_call():
  return pl.kernel(
      _gather_body,
      out_type=[
          jax.ShapeDtypeStruct((B, H), jnp.float32),
          jax.ShapeDtypeStruct((B, H), jnp.float32),
      ],
      mesh=plsc.VectorSubcoreMesh(core_axis_name="c", subcore_axis_name="s"),
      scratch_types=[
          pltpu.VMEM((NCH, CH), jnp.int32),
          pltpu.VMEM((NCH, CH), jnp.int32),
          pltpu.VMEM((ROWS_W, H), jnp.float32),
          pltpu.SemaphoreType.DMA,
      ],
  )


def _tc_body(t_ref, m_ref, xt_ref, w1_ref, b1_ref, w2_ref, b2_ref,
             pcw_ref, pcb_ref, ow_ref, ob_ref, o_ref):
  f32 = jnp.float32
  wt = ow_ref[0:H, :]
  wm = ow_ref[H:2 * H, :]
  ws = ow_ref[2 * H:3 * H, :]
  wp = ow_ref[3 * H:4 * H, :]
  x = jnp.transpose(xt_ref[:])
  h = jnp.dot(x, w1_ref[:], preferred_element_type=f32) + b1_ref[:]
  h = h * (1.0 / (1.0 + jnp.exp(-h)))
  s_emb = jnp.dot(h, w2_ref[:], preferred_element_type=f32) + b2_ref[:]
  p_emb = x[:, 4:5] * pcw_ref[:] + pcb_ref[:]
  acc = jnp.dot(t_ref[:], wt, preferred_element_type=f32)
  acc += jnp.dot(m_ref[:], wm, preferred_element_type=f32)
  acc += jnp.dot(s_emb, ws, preferred_element_type=f32)
  acc += jnp.dot(p_emb, wp, preferred_element_type=f32)
  o_ref[:] = acc + ob_ref[:]


def _tc_call(t_emb, sem_emb, xt, w1x, b1p, w2p, b2, pc_w, pc_b, out_w,
             out_b, interpret=False):
  nb = B // BT
  row = lambda i: (i, 0)
  col = lambda i: (0, i)
  rep = lambda i: (0, 0)
  return pl.pallas_call(
      _tc_body,
      grid=(nb,),
      in_specs=[
          pl.BlockSpec((BT, H), row),
          pl.BlockSpec((BT, H), row),
          pl.BlockSpec((8, BT), col),
          pl.BlockSpec((8, H), rep),
          pl.BlockSpec((1, H), rep),
          pl.BlockSpec((H, H), rep),
          pl.BlockSpec((1, H), rep),
          pl.BlockSpec((1, H), rep),
          pl.BlockSpec((1, H), rep),
          pl.BlockSpec((4 * H, H), rep),
          pl.BlockSpec((1, H), rep),
      ],
      out_specs=pl.BlockSpec((BT, H), row),
      out_shape=jax.ShapeDtypeStruct((B, H), jnp.float32),
      interpret=interpret,
  )(t_emb, sem_emb, xt, w1x, b1p, w2p, b2, pc_w, pc_b, out_w, out_b)


def kernel(type_ids, semantic_ids, shape_vecs, param_counts, type_table,
           sem_table, shape_W1, shape_b1, shape_W2, shape_b2, pc_W, pc_b,
           out_W, out_b):
  tids = type_ids.astype(jnp.int32).reshape(NW, NCH, CH)
  sids = semantic_ids.astype(jnp.int32).reshape(NW, NCH, CH)
  t_emb, sem_emb = _gather_call()(type_table, tids, sem_table, sids)
  xt = (jnp.zeros((8, B), jnp.float32)
        .at[0:4, :].set(shape_vecs.T)
        .at[4, :].set(param_counts))
  w1x = jnp.zeros((8, H), jnp.float32).at[0:4, :H // 2].set(shape_W1)
  b1p = jnp.zeros((1, H), jnp.float32).at[:, :H // 2].set(shape_b1)
  w2p = jnp.zeros((H, H), jnp.float32).at[:H // 2, :].set(shape_W2)
  return _tc_call(t_emb, sem_emb, xt, w1x, b1p,
                  w2p, shape_b2.reshape(1, H), pc_W, pc_b.reshape(1, H),
                  out_W, out_b.reshape(1, H))

# --- scband reference (transcript-rebuilt; emitter-appended) ---
"""Pipeline reference for scband-architecture-embedder-85298050498768 (READ-ONLY COPY).

The authoritative reference and input builder live on the scoring server;
editing this copy changes nothing except your own understanding.
"""

import jax, jax.numpy as jnp
import numpy as np

B = 16384
HID = 128
NUM_TYPES = 1000
NUM_SEM = 100000

def setup_inputs(seed: int = 0) -> dict:
    key = jax.random.key(seed)
    ks = jax.random.split(key, 14)
    type_ids = jax.random.randint(ks[0], (B,), 0, NUM_TYPES, dtype=jnp.int64 if jax.config.jax_enable_x64 else jnp.int32)
    semantic_ids = jax.random.randint(ks[1], (B,), 0, NUM_SEM, dtype=jnp.int64 if jax.config.jax_enable_x64 else jnp.int32)
    shape_vecs = jax.random.normal(ks[2], (B, 4), dtype=jnp.float32)
    param_counts = jax.random.uniform(ks[3], (B,), dtype=jnp.float32)
    type_table = jax.random.normal(ks[4], (NUM_TYPES, HID), dtype=jnp.float32) * 0.02
    sem_table = jax.random.normal(ks[5], (NUM_SEM, HID), dtype=jnp.float32) * 0.02
    shape_W1 = jax.random.normal(ks[6], (4, HID // 2), dtype=jnp.float32) * 0.5
    shape_b1 = jnp.zeros((HID // 2,), dtype=jnp.float32)
    shape_W2 = jax.random.normal(ks[7], (HID // 2, HID), dtype=jnp.float32) * 0.125
    shape_b2 = jnp.zeros((HID,), dtype=jnp.float32)
    pc_W = jax.random.normal(ks[8], (1, HID), dtype=jnp.float32) * 1.0
    pc_b = jnp.zeros((HID,), dtype=jnp.float32)
    out_W = jax.random.normal(ks[9], (4 * HID, HID), dtype=jnp.float32) * 0.044
    out_b = jnp.zeros((HID,), dtype=jnp.float32)
    return {
        'type_ids': type_ids,
        'semantic_ids': semantic_ids,
        'shape_vecs': shape_vecs,
        'param_counts': param_counts,
        'type_table': type_table,
        'sem_table': sem_table,
        'shape_W1': shape_W1,
        'shape_b1': shape_b1,
        'shape_W2': shape_W2,
        'shape_b2': shape_b2,
        'pc_W': pc_W,
        'pc_b': pc_b,
        'out_W': out_W,
        'out_b': out_b,
    }

def reference(type_ids, semantic_ids, shape_vecs, param_counts,
              type_table, sem_table, shape_W1, shape_b1, shape_W2, shape_b2,
              pc_W, pc_b, out_W, out_b):
    # Embedding lookups (gather -> SparseCore-friendly)
    t_emb = jnp.take(type_table, type_ids, axis=0)
    sem_emb = jnp.take(sem_table, semantic_ids, axis=0)
    # shape_proj: Linear(4, H//2) -> SiLU -> Linear(H//2, H)
    h = shape_vecs @ shape_W1 + shape_b1
    h = jax.nn.silu(h)
    s_emb = h @ shape_W2 + shape_b2
    # param_cnt_proj: Linear(1, H); param_counts [B] -> [B,1]
    pc = param_counts[:, None]
    p_emb = pc @ pc_W + pc_b
    concat = jnp.concatenate([t_emb, sem_emb, s_emb, p_emb], axis=-1)
    out = concat @ out_W + out_b
    return out

if __name__ == "__main__":
    import jax
    _d = setup_inputs()
    print(jax.jit(kernel)(*tuple(_d.values())))

</pallas_src>

<mosaic_0001>
#map = affine_map<(d0, d1) -> (0, 0)>
#map1 = affine_map<(d0, d1) -> (0, 0, 0)>
module attributes {stable_mosaic.version = 14 : i64} {
  func.func @_gather_body(%arg0: i32, %arg1: i32, %arg2: memref<1000x128xf32, #tpu.memory_space<hbm>>, %arg3: memref<32x4x128xi32, #tpu.memory_space<hbm>>, %arg4: memref<100000x128xf32, #tpu.memory_space<hbm>>, %arg5: memref<32x4x128xi32, #tpu.memory_space<hbm>>, %arg6: memref<16384x128xf32, #tpu.memory_space<hbm>>, %arg7: memref<16384x128xf32, #tpu.memory_space<hbm>>, %arg8: memref<4x128xi32, #tpu.memory_space<vmem>>, %arg9: memref<4x128xi32, #tpu.memory_space<vmem>>, %arg10: memref<512x128xf32, #tpu.memory_space<vmem>>, %arg11: memref<!tpu.dma_semaphore, #tpu.memory_space<semaphore_mem>>) attributes {dimension_semantics = [#tpu.dimension_semantics<core_parallel>, #tpu.dimension_semantics<subcore_parallel>], iteration_bounds = array<i64: 2, 16>, scalar_prefetch = 0 : i64, scratch_operands = 4 : i64, tpu.core_type = #tpu.core_type<sc_vector_subcore>, window_params = [{transform_indices = #map}, {transform_indices = #map1}, {transform_indices = #map}, {transform_indices = #map1}, {transform_indices = #map}, {transform_indices = #map}]} {
    %mul3A = arith.constant 2 : i32
    %mul3A_0 = arith.muli %arg1, %mul3A : i32
    %add3A = arith.addi %mul3A_0, %arg0 : i32
    %mul3A_1 = arith.constant 512 : i32
    %mul3A_2 = arith.muli %add3A, %mul3A_1 : i32
    "tpu.region"() ({
      %run_scoped3A = tpu.sem_alloc : memref<!tpu.dma_semaphore, #tpu.memory_space<semaphore_mem>>
      %dma_start3A_161 = arith.constant 0 : i32
      %dma_start3A_162 = arith.constant 0 : i32
      %dma_start3A_163 = tpu.memref_slice %arg5[%add3A, %dma_start3A_161, %dma_start3A_162] : memref<32x4x128xi32, #tpu.memory_space<hbm>> -> memref<1x4x128xi32, #tpu.memory_space<hbm>>
      %dma_start3A_164 = tpu.memref_squeeze %dma_start3A_163 : memref<1x4x128xi32, #tpu.memory_space<hbm>> -> memref<4x128xi32, #tpu.memory_space<hbm>>
      %dma_start3A_165 = arith.constant 0 : i32
      %dma_start3A_166 = arith.constant 0 : i32
      %dma_start3A_167 = tpu.memref_slice %arg5[%add3A, %dma_start3A_165, %dma_start3A_166] : memref<32x4x128xi32, #tpu.memory_space<hbm>> -> memref<1x4x128xi32, #tpu.memory_space<hbm>>
      %dma_start3A_168 = tpu.memref_squeeze %dma_start3A_167 : memref<1x4x128xi32, #tpu.memory_space<hbm>> -> memref<4x128xi32, #tpu.memory_space<hbm>>
      tpu.enqueue_dma source(%dma_start3A_168 : memref<4x128xi32, #tpu.memory_space<hbm>>) target(%arg9 : memref<4x128xi32, #tpu.memory_space<vmem>>) target_semaphore(%run_scoped3A : memref<!tpu.dma_semaphore, #tpu.memory_space<semaphore_mem>>)
      %dma_wait3A_169 = arith.constant 0 : i32
      %dma_wait3A_170 = arith.constant 0 : i32
      %dma_wait3A_171 = tpu.memref_slice %arg5[%add3A, %dma_wait3A_169, %dma_wait3A_170] : memref<32x4x128xi32, #tpu.memory_space<hbm>> -> memref<1x4x128xi32, #tpu.memory_space<hbm>>
      %dma_wait3A_172 = tpu.memref_squeeze %dma_wait3A_171 : memref<1x4x128xi32, #tpu.memory_space<hbm>> -> memref<4x128xi32, #tpu.memory_space<hbm>>
      %dma_wait3A_173 = arith.constant 0 : i32
      %dma_wait3A_174 = arith.constant 0 : i32
      %dma_wait3A_175 = tpu.memref_slice %arg5[%add3A, %dma_wait3A_173, %dma_wait3A_174] : memref<32x4x128xi32, #tpu.memory_space<hbm>> -> memref<1x4x128xi32, #tpu.memory_space<hbm>>
      %dma_wait3A_176 = tpu.memref_squeeze %dma_wait3A_175 : memref<1x4x128xi32, #tpu.memory_space<hbm>> -> memref<4x128xi32, #tpu.memory_space<hbm>>
      tpu.wait_dma2 semaphore(%run_scoped3A : memref<!tpu.dma_semaphore, #tpu.memory_space<semaphore_mem>>) src(%dma_wait3A_176 : memref<4x128xi32, #tpu.memory_space<hbm>>) dst(%arg9 : memref<4x128xi32, #tpu.memory_space<vmem>>)
      tpu.yield
    }) : () -> ()
    "tpu.region"() ({
      %run_scoped3A = tpu.sem_alloc : memref<!tpu.dma_semaphore, #tpu.memory_space<semaphore_mem>>
      %dma_start3A_161 = arith.constant 0 : i32
      %dma_start3A_162 = arith.constant 0 : i32
      %dma_start3A_163 = tpu.memref_slice %arg3[%add3A, %dma_start3A_161, %dma_start3A_162] : memref<32x4x128xi32, #tpu.memory_space<hbm>> -> memref<1x4x128xi32, #tpu.memory_space<hbm>>
      %dma_start3A_164 = tpu.memref_squeeze %dma_start3A_163 : memref<1x4x128xi32, #tpu.memory_space<hbm>> -> memref<4x128xi32, #tpu.memory_space<hbm>>
      %dma_start3A_165 = arith.constant 0 : i32
      %dma_start3A_166 = arith.constant 0 : i32
      %dma_start3A_167 = tpu.memref_slice %arg3[%add3A, %dma_start3A_165, %dma_start3A_166] : memref<32x4x128xi32, #tpu.memory_space<hbm>> -> memref<1x4x128xi32, #tpu.memory_space<hbm>>
      %dma_start3A_168 = tpu.memref_squeeze %dma_start3A_167 : memref<1x4x128xi32, #tpu.memory_space<hbm>> -> memref<4x128xi32, #tpu.memory_space<hbm>>
      tpu.enqueue_dma source(%dma_start3A_168 : memref<4x128xi32, #tpu.memory_space<hbm>>) target(%arg8 : memref<4x128xi32, #tpu.memory_space<vmem>>) target_semaphore(%run_scoped3A : memref<!tpu.dma_semaphore, #tpu.memory_space<semaphore_mem>>)
      %dma_wait3A_169 = arith.constant 0 : i32
      %dma_wait3A_170 = arith.constant 0 : i32
      %dma_wait3A_171 = tpu.memref_slice %arg3[%add3A, %dma_wait3A_169, %dma_wait3A_170] : memref<32x4x128xi32, #tpu.memory_space<hbm>> -> memref<1x4x128xi32, #tpu.memory_space<hbm>>
      %dma_wait3A_172 = tpu.memref_squeeze %dma_wait3A_171 : memref<1x4x128xi32, #tpu.memory_space<hbm>> -> memref<4x128xi32, #tpu.memory_space<hbm>>
      %dma_wait3A_173 = arith.constant 0 : i32
      %dma_wait3A_174 = arith.constant 0 : i32
      %dma_wait3A_175 = tpu.memref_slice %arg3[%add3A, %dma_wait3A_173, %dma_wait3A_174] : memref<32x4x128xi32, #tpu.memory_space<hbm>> -> memref<1x4x128xi32, #tpu.memory_space<hbm>>
      %dma_wait3A_176 = tpu.memref_squeeze %dma_wait3A_175 : memref<1x4x128xi32, #tpu.memory_space<hbm>> -> memref<4x128xi32, #tpu.memory_space<hbm>>
      tpu.wait_dma2 semaphore(%run_scoped3A : memref<!tpu.dma_semaphore, #tpu.memory_space<semaphore_mem>>) src(%dma_wait3A_176 : memref<4x128xi32, #tpu.memory_space<hbm>>) dst(%arg8 : memref<4x128xi32, #tpu.memory_space<vmem>>)
      tpu.yield
    }) : () -> ()
    %dma_start3A = arith.constant 0 : i32
    %dma_start3A_3 = arith.constant 0 : i32
    %dma_start3A_4 = arith.constant 0 : i32
    %dma_start3A_5 = tpu.memref_slice %arg10[%dma_start3A_3, %dma_start3A_4] : memref<512x128xf32, #tpu.memory_space<vmem>> -> memref<128x128xf32, #tpu.memory_space<vmem>>
    %dma_start3A_6 = arith.constant 0 : i32
    %dma_start3A_7 = tpu.memref_slice %arg9[%dma_start3A, %dma_start3A_6] : memref<4x128xi32, #tpu.memory_space<vmem>> -> memref<1x128xi32, #tpu.memory_space<vmem>>
    %dma_start3A_8 = tpu.memref_squeeze %dma_start3A_7 : memref<1x128xi32, #tpu.memory_space<vmem>> -> memref<128xi32, #tpu.memory_space<vmem>>
    %dma_start3A_9 = arith.constant 0 : i32
    %dma_start3A_10 = arith.constant 0 : i32
    %dma_start3A_11 = tpu.memref_slice %arg4[%dma_start3A_9, %dma_start3A_10] : memref<100000x128xf32, #tpu.memory_space<hbm>> -> memref<100000x128xf32, #tpu.memory_space<hbm>>
    tpu.enqueue_indirect_dma source(%dma_start3A_11 : memref<100000x128xf32, #tpu.memory_space<hbm>>) target(%dma_start3A_5 : memref<128x128xf32, #tpu.memory_space<vmem>>) offsets(%dma_start3A_8 : memref<128xi32, #tpu.memory_space<vmem>>) semaphore(%arg11 : memref<!tpu.dma_semaphore, #tpu.memory_space<semaphore_mem>>)
    %dma_start3A_12 = arith.constant 1 : i32
    %dma_start3A_13 = arith.constant 128 : i32
    %dma_start3A_14 = arith.constant 0 : i32
    %dma_start3A_15 = tpu.memref_slice %arg10[%dma_start3A_13, %dma_start3A_14] : memref<512x128xf32, #tpu.memory_space<vmem>> -> memref<128x128xf32, #tpu.memory_space<vmem>>
    %dma_start3A_16 = arith.constant 0 : i32
    %dma_start3A_17 = tpu.memref_slice %arg9[%dma_start3A_12, %dma_start3A_16] : memref<4x128xi32, #tpu.memory_space<vmem>> -> memref<1x128xi32, #tpu.memory_space<vmem>>
    %dma_start3A_18 = tpu.memref_squeeze %dma_start3A_17 : memref<1x128xi32, #tpu.memory_space<vmem>> -> memref<128xi32, #tpu.memory_space<vmem>>
    %dma_start3A_19 = arith.constant 0 : i32
    %dma_start3A_20 = arith.constant 0 : i32
    %dma_start3A_21 = tpu.memref_slice %arg4[%dma_start3A_19, %dma_start3A_20] : memref<100000x128xf32, #tpu.memory_space<hbm>> -> memref<100000x128xf32, #tpu.memory_space<hbm>>
    tpu.enqueue_indirect_dma source(%dma_start3A_21 : memref<100000x128xf32, #tpu.memory_space<hbm>>) target(%dma_start3A_15 : memref<128x128xf32, #tpu.memory_space<vmem>>) offsets(%dma_start3A_18 : memref<128xi32, #tpu.memory_space<vmem>>) semaphore(%arg11 : memref<!tpu.dma_semaphore, #tpu.memory_space<semaphore_mem>>)
    %dma_start3A_22 = arith.constant 2 : i32
    %dma_start3A_23 = arith.constant 256 : i32
    %dma_start3A_24 = arith.constant 0 : i32
    %dma_start3A_25 = tpu.memref_slice %arg10[%dma_start3A_23, %dma_start3A_24] : memref<512x128xf32, #tpu.memory_space<vmem>> -> memref<128x128xf32, #tpu.memory_space<vmem>>
    %dma_start3A_26 = arith.constant 0 : i32
    %dma_start3A_27 = tpu.memref_slice %arg9[%dma_start3A_22, %dma_start3A_26] : memref<4x128xi32, #tpu.memory_space<vmem>> -> memref<1x128xi32, #tpu.memory_space<vmem>>
    %dma_start3A_28 = tpu.memref_squeeze %dma_start3A_27 : memref<1x128xi32, #tpu.memory_space<vmem>> -> memref<128xi32, #tpu.memory_space<vmem>>
    %dma_start3A_29 = arith.constant 0 : i32
    %dma_start3A_30 = arith.constant 0 : i32
    %dma_start3A_31 = tpu.memref_slice %arg4[%dma_start3A_29, %dma_start3A_30] : memref<100000x128xf32, #tpu.memory_space<hbm>> -> memref<100000x128xf32, #tpu.memory_space<hbm>>
    tpu.enqueue_indirect_dma source(%dma_start3A_31 : memref<100000x128xf32, #tpu.memory_space<hbm>>) target(%dma_start3A_25 : memref<128x128xf32, #tpu.memory_space<vmem>>) offsets(%dma_start3A_28 : memref<128xi32, #tpu.memory_space<vmem>>) semaphore(%arg11 : memref<!tpu.dma_semaphore, #tpu.memory_space<semaphore_mem>>)
    %dma_start3A_32 = arith.constant 3 : i32
    %dma_start3A_33 = arith.constant 384 : i32
    %dma_start3A_34 = arith.constant 0 : i32
    %dma_start3A_35 = tpu.memref_slice %arg10[%dma_start3A_33, %dma_start3A_34] : memref<512x128xf32, #tpu.memory_space<vmem>> -> memref<128x128xf32, #tpu.memory_space<vmem>>
    %dma_start3A_36 = arith.constant 0 : i32
    %dma_start3A_37 = tpu.memref_slice %arg9[%dma_start3A_32, %dma_start3A_36] : memref<4x128xi32, #tpu.memory_space<vmem>> -> memref<1x128xi32, #tpu.memory_space<vmem>>
    %dma_start3A_38 = tpu.memref_squeeze %dma_start3A_37 : memref<1x128xi32, #tpu.memory_space<vmem>> -> memref<128xi32, #tpu.memory_space<vmem>>
    %dma_start3A_39 = arith.constant 0 : i32
    %dma_start3A_40 = arith.constant 0 : i32
    %dma_start3A_41 = tpu.memref_slice %arg4[%dma_start3A_39, %dma_start3A_40] : memref<100000x128xf32, #tpu.memory_space<hbm>> -> memref<100000x128xf32, #tpu.memory_space<hbm>>
    tpu.enqueue_indirect_dma source(%dma_start3A_41 : memref<100000x128xf32, #tpu.memory_space<hbm>>) target(%dma_start3A_35 : memref<128x128xf32, #tpu.memory_space<vmem>>) offsets(%dma_start3A_38 : memref<128xi32, #tpu.memory_space<vmem>>) semaphore(%arg11 : memref<!tpu.dma_semaphore, #tpu.memory_space<semaphore_mem>>)
    %dma_wait3A = arith.constant 0 : i32
    %dma_wait3A_42 = arith.constant 0 : i32
    %dma_wait3A_43 = arith.constant 0 : i32
    %dma_wait3A_44 = tpu.memref_slice %arg10[%dma_wait3A_42, %dma_wait3A_43] : memref<512x128xf32, #tpu.memory_space<vmem>> -> memref<128x128xf32, #tpu.memory_space<vmem>>
    %dma_wait3A_45 = arith.constant 0 : i32
    %dma_wait3A_46 = tpu.memref_slice %arg9[%dma_wait3A, %dma_wait3A_45] : memref<4x128xi32, #tpu.memory_space<vmem>> -> memref<1x128xi32, #tpu.memory_space<vmem>>
    %dma_wait3A_47 = tpu.memref_squeeze %dma_wait3A_46 : memref<1x128xi32, #tpu.memory_space<vmem>> -> memref<128xi32, #tpu.memory_space<vmem>>
    %dma_wait3A_48 = arith.constant 0 : i32
    %dma_wait3A_49 = arith.constant 0 : i32
    %dma_wait3A_50 = tpu.memref_slice %arg4[%dma_wait3A_48, %dma_wait3A_49] : memref<100000x128xf32, #tpu.memory_space<hbm>> -> memref<100000x128xf32, #tpu.memory_space<hbm>>
    tpu.wait_indirect_dma semaphore(%arg11 : memref<!tpu.dma_semaphore, #tpu.memory_space<semaphore_mem>>) src(%dma_wait3A_50 : memref<100000x128xf32, #tpu.memory_space<hbm>>) dst(%dma_wait3A_44 : memref<128x128xf32, #tpu.memory_space<vmem>>)
    %dma_wait3A_51 = arith.constant 1 : i32
    %dma_wait3A_52 = arith.constant 128 : i32
    %dma_wait3A_53 = arith.constant 0 : i32
    %dma_wait3A_54 = tpu.memref_slice %arg10[%dma_wait3A_52, %dma_wait3A_53] : memref<512x128xf32, #tpu.memory_space<vmem>> -> memref<128x128xf32, #tpu.memory_space<vmem>>
    %dma_wait3A_55 = arith.constant 0 : i32
    %dma_wait3A_56 = tpu.memref_slice %arg9[%dma_wait3A_51, %dma_wait3A_55] : memref<4x128xi32, #tpu.memory_space<vmem>> -> memref<1x128xi32, #tpu.memory_space<vmem>>
    %dma_wait3A_57 = tpu.memref_squeeze %dma_wait3A_56 : memref<1x128xi32, #tpu.memory_space<vmem>> -> memref<128xi32, #tpu.memory_space<vmem>>
    %dma_wait3A_58 = arith.constant 0 : i32
    %dma_wait3A_59 = arith.constant 0 : i32
    %dma_wait3A_60 = tpu.memref_slice %arg4[%dma_wait3A_58, %dma_wait3A_59] : memref<100000x128xf32, #tpu.memory_space<hbm>> -> memref<100000x128xf32, #tpu.memory_space<hbm>>
    tpu.wait_indirect_dma semaphore(%arg11 : memref<!tpu.dma_semaphore, #tpu.memory_space<semaphore_mem>>) src(%dma_wait3A_60 : memref<100000x128xf32, #tpu.memory_space<hbm>>) dst(%dma_wait3A_54 : memref<128x128xf32, #tpu.memory_space<vmem>>)
    %dma_wait3A_61 = arith.constant 2 : i32
    %dma_wait3A_62 = arith.constant 256 : i32
    %dma_wait3A_63 = arith.constant 0 : i32
    %dma_wait3A_64 = tpu.memref_slice %arg10[%dma_wait3A_62, %dma_wait3A_63] : memref<512x128xf32, #tpu.memory_space<vmem>> -> memref<128x128xf32, #tpu.memory_space<vmem>>
    %dma_wait3A_65 = arith.constant 0 : i32
    %dma_wait3A_66 = tpu.memref_slice %arg9[%dma_wait3A_61, %dma_wait3A_65] : memref<4x128xi32, #tpu.memory_space<vmem>> -> memref<1x128xi32, #tpu.memory_space<vmem>>
    %dma_wait3A_67 = tpu.memref_squeeze %dma_wait3A_66 : memref<1x128xi32, #tpu.memory_space<vmem>> -> memref<128xi32, #tpu.memory_space<vmem>>
    %dma_wait3A_68 = arith.constant 0 : i32
    %dma_wait3A_69 = arith.constant 0 : i32
    %dma_wait3A_70 = tpu.memref_slice %arg4[%dma_wait3A_68, %dma_wait3A_69] : memref<100000x128xf32, #tpu.memory_space<hbm>> -> memref<100000x128xf32, #tpu.memory_space<hbm>>
    tpu.wait_indirect_dma semaphore(%arg11 : memref<!tpu.dma_semaphore, #tpu.memory_space<semaphore_mem>>) src(%dma_wait3A_70 : memref<100000x128xf32, #tpu.memory_space<hbm>>) dst(%dma_wait3A_64 : memref<128x128xf32, #tpu.memory_space<vmem>>)
    %dma_wait3A_71 = arith.constant 3 : i32
    %dma_wait3A_72 = arith.constant 384 : i32
    %dma_wait3A_73 = arith.constant 0 : i32
    %dma_wait3A_74 = tpu.memref_slice %arg10[%dma_wait3A_72, %dma_wait3A_73] : memref<512x128xf32, #tpu.memory_space<vmem>> -> memref<128x128xf32, #tpu.memory_space<vmem>>
    %dma_wait3A_75 = arith.constant 0 : i32
    %dma_wait3A_76 = tpu.memref_slice %arg9[%dma_wait3A_71, %dma_wait3A_75] : memref<4x128xi32, #tpu.memory_space<vmem>> -> memref<1x128xi32, #tpu.memory_space<vmem>>
    %dma_wait3A_77 = tpu.memref_squeeze %dma_wait3A_76 : memref<1x128xi32, #tpu.memory_space<vmem>> -> memref<128xi32, #tpu.memory_space<vmem>>
    %dma_wait3A_78 = arith.constant 0 : i32
    %dma_wait3A_79 = arith.constant 0 : i32
    %dma_wait3A_80 = tpu.memref_slice %arg4[%dma_wait3A_78, %dma_wait3A_79] : memref<100000x128xf32, #tpu.memory_space<hbm>> -> memref<100000x128xf32, #tpu.memory_space<hbm>>
    tpu.wait_indirect_dma semaphore(%arg11 : memref<!tpu.dma_semaphore, #tpu.memory_space<semaphore_mem>>) src(%dma_wait3A_80 : memref<100000x128xf32, #tpu.memory_space<hbm>>) dst(%dma_wait3A_74 : memref<128x128xf32, #tpu.memory_space<vmem>>)
    "tpu.region"() ({
      %run_scoped3A = tpu.sem_alloc : memref<!tpu.dma_semaphore, #tpu.memory_space<semaphore_mem>>
      %dma_start3A_161 = arith.constant 0 : i32
      %dma_start3A_162 = tpu.memref_slice %arg7[%mul3A_2, %dma_start3A_161] : memref<16384x128xf32, #tpu.memory_space<hbm>> -> memref<512x128xf32, #tpu.memory_space<hbm>>
      %dma_start3A_163 = arith.constant 0 : i32
      %dma_start3A_164 = tpu.memref_slice %arg7[%mul3A_2, %dma_start3A_163] : memref<16384x128xf32, #tpu.memory_space<hbm>> -> memref<512x128xf32, #tpu.memory_space<hbm>>
      tpu.enqueue_dma source(%arg10 : memref<512x128xf32, #tpu.memory_space<vmem>>) target(%dma_start3A_164 : memref<512x128xf32, #tpu.memory_space<hbm>>) target_semaphore(%run_scoped3A : memref<!tpu.dma_semaphore, #tpu.memory_space<semaphore_mem>>)
      %dma_wait3A_165 = arith.constant 0 : i32
      %dma_wait3A_166 = tpu.memref_slice %arg7[%mul3A_2, %dma_wait3A_165] : memref<16384x128xf32, #tpu.memory_space<hbm>> -> memref<512x128xf32, #tpu.memory_space<hbm>>
      %dma_wait3A_167 = arith.constant 0 : i32
      %dma_wait3A_168 = tpu.memref_slice %arg7[%mul3A_2, %dma_wait3A_167] : memref<16384x128xf32, #tpu.memory_space<hbm>> -> memref<512x128xf32, #tpu.memory_space<hbm>>
      tpu.wait_dma2 semaphore(%run_scoped3A : memref<!tpu.dma_semaphore, #tpu.memory_space<semaphore_mem>>) src(%arg10 : memref<512x128xf32, #tpu.memory_space<vmem>>) dst(%dma_wait3A_168 : memref<512x128xf32, #tpu.memory_space<hbm>>)
      tpu.yield
    }) : () -> ()
    %dma_start3A_81 = arith.constant 0 : i32
    %dma_start3A_82 = arith.constant 0 : i32
    %dma_start3A_83 = arith.constant 0 : i32
    %dma_start3A_84 = tpu.memref_slice %arg10[%dma_start3A_82, %dma_start3A_83] : memref<512x128xf32, #tpu.memory_space<vmem>> -> memref<128x128xf32, #tpu.memory_space<vmem>>
    %dma_start3A_85 = arith.constant 0 : i32
    %dma_start3A_86 = tpu.memref_slice %arg8[%dma_start3A_81, %dma_start3A_85] : memref<4x128xi32, #tpu.memory_space<vmem>> -> memref<1x128xi32, #tpu.memory_space<vmem>>
    %dma_start3A_87 = tpu.memref_squeeze %dma_start3A_86 : memref<1x128xi32, #tpu.memory_space<vmem>> -> memref<128xi32, #tpu.memory_space<vmem>>
    %dma_start3A_88 = arith.constant 0 : i32
    %dma_start3A_89 = arith.constant 0 : i32
    %dma_start3A_90 = tpu.memref_slice %arg2[%dma_start3A_88, %dma_start3A_89] : memref<1000x128xf32, #tpu.memory_space<hbm>> -> memref<1000x128xf32, #tpu.memory_space<hbm>>
    tpu.enqueue_indirect_dma source(%dma_start3A_90 : memref<1000x128xf32, #tpu.memory_space<hbm>>) target(%dma_start3A_84 : memref<128x128xf32, #tpu.memory_space<vmem>>) offsets(%dma_start3A_87 : memref<128xi32, #tpu.memory_space<vmem>>) semaphore(%arg11 : memref<!tpu.dma_semaphore, #tpu.memory_space<semaphore_mem>>)
    %dma_start3A_91 = arith.constant 1 : i32
    %dma_start3A_92 = arith.constant 128 : i32
    %dma_start3A_93 = arith.constant 0 : i32
    %dma_start3A_94 = tpu.memref_slice %arg10[%dma_start3A_92, %dma_start3A_93] : memref<512x128xf32, #tpu.memory_space<vmem>> -> memref<128x128xf32, #tpu.memory_space<vmem>>
    %dma_start3A_95 = arith.constant 0 : i32
    %dma_start3A_96 = tpu.memref_slice %arg8[%dma_start3A_91, %dma_start3A_95] : memref<4x128xi32, #tpu.memory_space<vmem>> -> memref<1x128xi32, #tpu.memory_space<vmem>>
    %dma_start3A_97 = tpu.memref_squeeze %dma_start3A_96 : memref<1x128xi32, #tpu.memory_space<vmem>> -> memref<128xi32, #tpu.memory_space<vmem>>
    %dma_start3A_98 = arith.constant 0 : i32
    %dma_start3A_99 = arith.constant 0 : i32
    %dma_start3A_100 = tpu.memref_slice %arg2[%dma_start3A_98, %dma_start3A_99] : memref<1000x128xf32, #tpu.memory_space<hbm>> -> memref<1000x128xf32, #tpu.memory_space<hbm>>
    tpu.enqueue_indirect_dma source(%dma_start3A_100 : memref<1000x128xf32, #tpu.memory_space<hbm>>) target(%dma_start3A_94 : memref<128x128xf32, #tpu.memory_space<vmem>>) offsets(%dma_start3A_97 : memref<128xi32, #tpu.memory_space<vmem>>) semaphore(%arg11 : memref<!tpu.dma_semaphore, #tpu.memory_space<semaphore_mem>>)
    %dma_start3A_101 = arith.constant 2 : i32
    %dma_start3A_102 = arith.constant 256 : i32
    %dma_start3A_103 = arith.constant 0 : i32
    %dma_start3A_104 = tpu.memref_slice %arg10[%dma_start3A_102, %dma_start3A_103] : memref<512x128xf32, #tpu.memory_space<vmem>> -> memref<128x128xf32, #tpu.memory_space<vmem>>
    %dma_start3A_105 = arith.constant 0 : i32
    %dma_start3A_106 = tpu.memref_slice %arg8[%dma_start3A_101, %dma_start3A_105] : memref<4x128xi32, #tpu.memory_space<vmem>> -> memref<1x128xi32, #tpu.memory_space<vmem>>
    %dma_start3A_107 = tpu.memref_squeeze %dma_start3A_106 : memref<1x128xi32, #tpu.memory_space<vmem>> -> memref<128xi32, #tpu.memory_space<vmem>>
    %dma_start3A_108 = arith.constant 0 : i32
    %dma_start3A_109 = arith.constant 0 : i32
    %dma_start3A_110 = tpu.memref_slice %arg2[%dma_start3A_108, %dma_start3A_109] : memref<1000x128xf32, #tpu.memory_space<hbm>> -> memref<1000x128xf32, #tpu.memory_space<hbm>>
    tpu.enqueue_indirect_dma source(%dma_start3A_110 : memref<1000x128xf32, #tpu.memory_space<hbm>>) target(%dma_start3A_104 : memref<128x128xf32, #tpu.memory_space<vmem>>) offsets(%dma_start3A_107 : memref<128xi32, #tpu.memory_space<vmem>>) semaphore(%arg11 : memref<!tpu.dma_semaphore, #tpu.memory_space<semaphore_mem>>)
    %dma_start3A_111 = arith.constant 3 : i32
    %dma_start3A_112 = arith.constant 384 : i32
    %dma_start3A_113 = arith.constant 0 : i32
    %dma_start3A_114 = tpu.memref_slice %arg10[%dma_start3A_112, %dma_start3A_113] : memref<512x128xf32, #tpu.memory_space<vmem>> -> memref<128x128xf32, #tpu.memory_space<vmem>>
    %dma_start3A_115 = arith.constant 0 : i32
    %dma_start3A_116 = tpu.memref_slice %arg8[%dma_start3A_111, %dma_start3A_115] : memref<4x128xi32, #tpu.memory_space<vmem>> -> memref<1x128xi32, #tpu.memory_space<vmem>>
    %dma_start3A_117 = tpu.memref_squeeze %dma_start3A_116 : memref<1x128xi32, #tpu.memory_space<vmem>> -> memref<128xi32, #tpu.memory_space<vmem>>
    %dma_start3A_118 = arith.constant 0 : i32
    %dma_start3A_119 = arith.constant 0 : i32
    %dma_start3A_120 = tpu.memref_slice %arg2[%dma_start3A_118, %dma_start3A_119] : memref<1000x128xf32, #tpu.memory_space<hbm>> -> memref<1000x128xf32, #tpu.memory_space<hbm>>
    tpu.enqueue_indirect_dma source(%dma_start3A_120 : memref<1000x128xf32, #tpu.memory_space<hbm>>) target(%dma_start3A_114 : memref<128x128xf32, #tpu.memory_space<vmem>>) offsets(%dma_start3A_117 : memref<128xi32, #tpu.memory_space<vmem>>) semaphore(%arg11 : memref<!tpu.dma_semaphore, #tpu.memory_space<semaphore_mem>>)
    %dma_wait3A_121 = arith.constant 0 : i32
    %dma_wait3A_122 = arith.constant 0 : i32
    %dma_wait3A_123 = arith.constant 0 : i32
    %dma_wait3A_124 = tpu.memref_slice %arg10[%dma_wait3A_122, %dma_wait3A_123] : memref<512x128xf32, #tpu.memory_space<vmem>> -> memref<128x128xf32, #tpu.memory_space<vmem>>
    %dma_wait3A_125 = arith.constant 0 : i32
    %dma_wait3A_126 = tpu.memref_slice %arg8[%dma_wait3A_121, %dma_wait3A_125] : memref<4x128xi32, #tpu.memory_space<vmem>> -> memref<1x128xi32, #tpu.memory_space<vmem>>
    %dma_wait3A_127 = tpu.memref_squeeze %dma_wait3A_126 : memref<1x128xi32, #tpu.memory_space<vmem>> -> memref<128xi32, #tpu.memory_space<vmem>>
    %dma_wait3A_128 = arith.constant 0 : i32
    %dma_wait3A_129 = arith.constant 0 : i32
    %dma_wait3A_130 = tpu.memref_slice %arg2[%dma_wait3A_128, %dma_wait3A_129] : memref<1000x128xf32, #tpu.memory_space<hbm>> -> memref<1000x128xf32, #tpu.memory_space<hbm>>
    tpu.wait_indirect_dma semaphore(%arg11 : memref<!tpu.dma_semaphore, #tpu.memory_space<semaphore_mem>>) src(%dma_wait3A_130 : memref<1000x128xf32, #tpu.memory_space<hbm>>) dst(%dma_wait3A_124 : memref<128x128xf32, #tpu.memory_space<vmem>>)
    %dma_wait3A_131 = arith.constant 1 : i32
    %dma_wait3A_132 = arith.constant 128 : i32
    %dma_wait3A_133 = arith.constant 0 : i32
    %dma_wait3A_134 = tpu.memref_slice %arg10[%dma_wait3A_132, %dma_wait3A_133] : memref<512x128xf32, #tpu.memory_space<vmem>> -> memref<128x128xf32, #tpu.memory_space<vmem>>
    %dma_wait3A_135 = arith.constant 0 : i32
    %dma_wait3A_136 = tpu.memref_slice %arg8[%dma_wait3A_131, %dma_wait3A_135] : memref<4x128xi32, #tpu.memory_space<vmem>> -> memref<1x128xi32, #tpu.memory_space<vmem>>
    %dma_wait3A_137 = tpu.memref_squeeze %dma_wait3A_136 : memref<1x128xi32, #tpu.memory_space<vmem>> -> memref<128xi32, #tpu.memory_space<vmem>>
    %dma_wait3A_138 = arith.constant 0 : i32
    %dma_wait3A_139 = arith.constant 0 : i32
    %dma_wait3A_140 = tpu.memref_slice %arg2[%dma_wait3A_138, %dma_wait3A_139] : memref<1000x128xf32, #tpu.memory_space<hbm>> -> memref<1000x128xf32, #tpu.memory_space<hbm>>
    tpu.wait_indirect_dma semaphore(%arg11 : memref<!tpu.dma_semaphore, #tpu.memory_space<semaphore_mem>>) src(%dma_wait3A_140 : memref<1000x128xf32, #tpu.memory_space<hbm>>) dst(%dma_wait3A_134 : memref<128x128xf32, #tpu.memory_space<vmem>>)
    %dma_wait3A_141 = arith.constant 2 : i32
    %dma_wait3A_142 = arith.constant 256 : i32
    %dma_wait3A_143 = arith.constant 0 : i32
    %dma_wait3A_144 = tpu.memref_slice %arg10[%dma_wait3A_142, %dma_wait3A_143] : memref<512x128xf32, #tpu.memory_space<vmem>> -> memref<128x128xf32, #tpu.memory_space<vmem>>
    %dma_wait3A_145 = arith.constant 0 : i32
    %dma_wait3A_146 = tpu.memref_slice %arg8[%dma_wait3A_141, %dma_wait3A_145] : memref<4x128xi32, #tpu.memory_space<vmem>> -> memref<1x128xi32, #tpu.memory_space<vmem>>
    %dma_wait3A_147 = tpu.memref_squeeze %dma_wait3A_146 : memref<1x128xi32, #tpu.memory_space<vmem>> -> memref<128xi32, #tpu.memory_space<vmem>>
    %dma_wait3A_148 = arith.constant 0 : i32
    %dma_wait3A_149 = arith.constant 0 : i32
    %dma_wait3A_150 = tpu.memref_slice %arg2[%dma_wait3A_148, %dma_wait3A_149] : memref<1000x128xf32, #tpu.memory_space<hbm>> -> memref<1000x128xf32, #tpu.memory_space<hbm>>
    tpu.wait_indirect_dma semaphore(%arg11 : memref<!tpu.dma_semaphore, #tpu.memory_space<semaphore_mem>>) src(%dma_wait3A_150 : memref<1000x128xf32, #tpu.memory_space<hbm>>) dst(%dma_wait3A_144 : memref<128x128xf32, #tpu.memory_space<vmem>>)
    %dma_wait3A_151 = arith.constant 3 : i32
    %dma_wait3A_152 = arith.constant 384 : i32
    %dma_wait3A_153 = arith.constant 0 : i32
    %dma_wait3A_154 = tpu.memref_slice %arg10[%dma_wait3A_152, %dma_wait3A_153] : memref<512x128xf32, #tpu.memory_space<vmem>> -> memref<128x128xf32, #tpu.memory_space<vmem>>
    %dma_wait3A_155 = arith.constant 0 : i32
    %dma_wait3A_156 = tpu.memref_slice %arg8[%dma_wait3A_151, %dma_wait3A_155] : memref<4x128xi32, #tpu.memory_space<vmem>> -> memref<1x128xi32, #tpu.memory_space<vmem>>
    %dma_wait3A_157 = tpu.memref_squeeze %dma_wait3A_156 : memref<1x128xi32, #tpu.memory_space<vmem>> -> memref<128xi32, #tpu.memory_space<vmem>>
    %dma_wait3A_158 = arith.constant 0 : i32
    %dma_wait3A_159 = arith.constant 0 : i32
    %dma_wait3A_160 = tpu.memref_slice %arg2[%dma_wait3A_158, %dma_wait3A_159] : memref<1000x128xf32, #tpu.memory_space<hbm>> -> memref<1000x128xf32, #tpu.memory_space<hbm>>
    tpu.wait_indirect_dma semaphore(%arg11 : memref<!tpu.dma_semaphore, #tpu.memory_space<semaphore_mem>>) src(%dma_wait3A_160 : memref<1000x128xf32, #tpu.memory_space<hbm>>) dst(%dma_wait3A_154 : memref<128x128xf32, #tpu.memory_space<vmem>>)
    "tpu.region"() ({
      %run_scoped3A = tpu.sem_alloc : memref<!tpu.dma_semaphore, #tpu.memory_space<semaphore_mem>>
      %dma_start3A_161 = arith.constant 0 : i32
      %dma_start3A_162 = tpu.memref_slice %arg6[%mul3A_2, %dma_start3A_161] : memref<16384x128xf32, #tpu.memory_space<hbm>> -> memref<512x128xf32, #tpu.memory_space<hbm>>
      %dma_start3A_163 = arith.constant 0 : i32
      %dma_start3A_164 = tpu.memref_slice %arg6[%mul3A_2, %dma_start3A_163] : memref<16384x128xf32, #tpu.memory_space<hbm>> -> memref<512x128xf32, #tpu.memory_space<hbm>>
      tpu.enqueue_dma source(%arg10 : memref<512x128xf32, #tpu.memory_space<vmem>>) target(%dma_start3A_164 : memref<512x128xf32, #tpu.memory_space<hbm>>) target_semaphore(%run_scoped3A : memref<!tpu.dma_semaphore, #tpu.memory_space<semaphore_mem>>)
      %dma_wait3A_165 = arith.constant 0 : i32
      %dma_wait3A_166 = tpu.memref_slice %arg6[%mul3A_2, %dma_wait3A_165] : memref<16384x128xf32, #tpu.memory_space<hbm>> -> memref<512x128xf32, #tpu.memory_space<hbm>>
      %dma_wait3A_167 = arith.constant 0 : i32
      %dma_wait3A_168 = tpu.memref_slice %arg6[%mul3A_2, %dma_wait3A_167] : memref<16384x128xf32, #tpu.memory_space<hbm>> -> memref<512x128xf32, #tpu.memory_space<hbm>>
      tpu.wait_dma2 semaphore(%run_scoped3A : memref<!tpu.dma_semaphore, #tpu.memory_space<semaphore_mem>>) src(%arg10 : memref<512x128xf32, #tpu.memory_space<vmem>>) dst(%dma_wait3A_168 : memref<512x128xf32, #tpu.memory_space<hbm>>)
      tpu.yield
    }) : () -> ()
    return
  }
}

module attributes {stable_mosaic.version = 14 : i64} {
  func.func @_tc_body(%arg0: i32, %arg1: memref<2048x128xf32, #tpu.memory_space<vmem>>, %arg2: memref<2048x128xf32, #tpu.memory_space<vmem>>, %arg3: memref<8x2048xf32, #tpu.memory_space<vmem>>, %arg4: memref<8x128xf32, #tpu.memory_space<vmem>>, %arg5: memref<1x128xf32, #tpu.memory_space<vmem>>, %arg6: memref<128x128xf32, #tpu.memory_space<vmem>>, %arg7: memref<1x128xf32, #tpu.memory_space<vmem>>, %arg8: memref<1x128xf32, #tpu.memory_space<vmem>>, %arg9: memref<1x128xf32, #tpu.memory_space<vmem>>, %arg10: memref<512x128xf32, #tpu.memory_space<vmem>>, %arg11: memref<1x128xf32, #tpu.memory_space<vmem>>, %arg12: memref<2048x128xf32, #tpu.memory_space<vmem>>) attributes {dimension_semantics = [#tpu.dimension_semantics<arbitrary>], iteration_bounds = array<i64: 8>, scalar_prefetch = 0 : i64, scratch_operands = 0 : i64, tpu.core_type = #tpu.core_type<tc>, window_params = [{transform_indices = @transform_0, window_bounds = array<i64: 2048, 128>}, {transform_indices = @transform_1, window_bounds = array<i64: 2048, 128>}, {transform_indices = @transform_2, window_bounds = array<i64: 8, 2048>}, {pipeline_mode = #tpu.pipeline_mode<synchronous>, transform_indices = @transform_3, window_bounds = array<i64: 8, 128>}, {pipeline_mode = #tpu.pipeline_mode<synchronous>, transform_indices = @transform_4, window_bounds = array<i64: 1, 128>}, {pipeline_mode = #tpu.pipeline_mode<synchronous>, transform_indices = @transform_5, window_bounds = array<i64: 128, 128>}, {pipeline_mode = #tpu.pipeline_mode<synchronous>, transform_indices = @transform_6, window_bounds = array<i64: 1, 128>}, {pipeline_mode = #tpu.pipeline_mode<synchronous>, transform_indices = @transform_7, window_bounds = array<i64: 1, 128>}, {pipeline_mode = #tpu.pipeline_mode<synchronous>, transform_indices = @transform_8, window_bounds = array<i64: 1, 128>}, {pipeline_mode = #tpu.pipeline_mode<synchronous>, transform_indices = @transform_9, window_bounds = array<i64: 512, 128>}, {pipeline_mode = #tpu.pipeline_mode<synchronous>, transform_indices = @transform_10, window_bounds = array<i64: 1, 128>}, {transform_indices = @transform_11, window_bounds = array<i64: 2048, 128>}]} {
    %get3A = arith.constant 0 : index
    %get3A_0 = arith.constant 0 : index
    %get3A_1 = vector.load %arg10[%get3A, %get3A_0] : memref<512x128xf32, #tpu.memory_space<vmem>>, vector<128x128xf32>
    %get3A_2 = arith.constant 128 : index
    %get3A_3 = arith.constant 0 : index
    %get3A_4 = vector.load %arg10[%get3A_2, %get3A_3] : memref<512x128xf32, #tpu.memory_space<vmem>>, vector<128x128xf32>
    %get3A_5 = arith.constant 256 : index
    %get3A_6 = arith.constant 0 : index
    %get3A_7 = vector.load %arg10[%get3A_5, %get3A_6] : memref<512x128xf32, #tpu.memory_space<vmem>>, vector<128x128xf32>
    %get3A_8 = arith.constant 384 : index
    %get3A_9 = arith.constant 0 : index
    %get3A_10 = vector.load %arg10[%get3A_8, %get3A_9] : memref<512x128xf32, #tpu.memory_space<vmem>>, vector<128x128xf32>
    %get3A_11 = arith.constant 0 : index
    %get3A_12 = arith.constant 0 : index
    %get3A_13 = vector.load %arg3[%get3A_11, %get3A_12] : memref<8x2048xf32, #tpu.memory_space<vmem>>, vector<8x2048xf32>
    %transpose3A = tpu.transpose %get3A_13, [1, 0] : vector<8x2048xf32> -> vector<2048x8xf32>
    %get3A_14 = arith.constant 0 : index
    %get3A_15 = arith.constant 0 : index
    %get3A_16 = vector.load %arg4[%get3A_14, %get3A_15] : memref<8x128xf32, #tpu.memory_space<vmem>>, vector<8x128xf32>
    %dot_general3A = arith.constant dense<0.000000e+00> : vector<2048x128xf32>
    %dot_general3A_17 = tpu.matmul %transpose3A, %get3A_16, %dot_general3A {dimension_numbers = #tpu.dot_dimension_numbers<[1], [0], [0], [1], [0, 0, 1, 1], [], []>, transpose_lhs_hint = false} : vector<2048x8xf32>, vector<8x128xf32>, vector<2048x128xf32> -> vector<2048x128xf32>
    %get3A_18 = arith.constant 0 : index
    %get3A_19 = arith.constant 0 : index
    %get3A_20 = vector.load %arg5[%get3A_18, %get3A_19] : memref<1x128xf32, #tpu.memory_space<vmem>>, vector<1x128xf32>
    %add3A = vector.broadcast %get3A_20 : vector<1x128xf32> to vector<2048x128xf32>
    %add3A_21 = arith.addf %dot_general3A_17, %add3A : vector<2048x128xf32>
    %neg3A = arith.constant 0.000000e+00 : f32
    %neg3A_22 = vector.broadcast %neg3A : f32 to vector<2048x128xf32>
    %neg3A_23 = arith.subf %neg3A_22, %add3A_21 : vector<2048x128xf32>
    %exp3A = math.exp %neg3A_23 : vector<2048x128xf32>
    %add3A_24 = arith.constant 1.000000e+00 : f32
    %add3A_25 = vector.broadcast %add3A_24 : f32 to vector<2048x128xf32>
    %add3A_26 = arith.addf %add3A_25, %exp3A : vector<2048x128xf32>
    %div3A = arith.constant 1.000000e+00 : f32
    %div3A_27 = vector.broadcast %div3A : f32 to vector<2048x128xf32>
    %div3A_28 = arith.divf %div3A_27, %add3A_26 : vector<2048x128xf32>
    %mul3A = arith.mulf %add3A_21, %div3A_28 : vector<2048x128xf32>
    %get3A_29 = arith.constant 0 : index
    %get3A_30 = arith.constant 0 : index
    %get3A_31 = vector.load %arg6[%get3A_29, %get3A_30] : memref<128x128xf32, #tpu.memory_space<vmem>>, vector<128x128xf32>
    %dot_general3A_32 = arith.constant dense<0.000000e+00> : vector<2048x128xf32>
    %dot_general3A_33 = tpu.matmul %mul3A, %get3A_31, %dot_general3A_32 {dimension_numbers = #tpu.dot_dimension_numbers<[1], [0], [0], [1], [0, 0, 1, 1], [], []>, transpose_lhs_hint = false} : vector<2048x128xf32>, vector<128x128xf32>, vector<2048x128xf32> -> vector<2048x128xf32>
    %get3A_34 = arith.constant 0 : index
    %get3A_35 = arith.constant 0 : index
    %get3A_36 = vector.load %arg7[%get3A_34, %get3A_35] : memref<1x128xf32, #tpu.memory_space<vmem>>, vector<1x128xf32>
    %add3A_37 = vector.broadcast %get3A_36 : vector<1x128xf32> to vector<2048x128xf32>
    %add3A_38 = arith.addf %dot_general3A_33, %add3A_37 : vector<2048x128xf32>
    %slice3A = vector.extract_strided_slice %transpose3A {offsets = [0, 4], sizes = [2048, 1], strides = [1, 1]} : vector<2048x8xf32> to vector<2048x1xf32>
    %get3A_39 = arith.constant 0 : index
    %get3A_40 = arith.constant 0 : index
    %get3A_41 = vector.load %arg8[%get3A_39, %get3A_40] : memref<1x128xf32, #tpu.memory_space<vmem>>, vector<1x128xf32>
    %mul3A_42 = vector.broadcast %slice3A : vector<2048x1xf32> to vector<2048x128xf32>
    %mul3A_43 = vector.broadcast %get3A_41 : vector<1x128xf32> to vector<2048x128xf32>
    %mul3A_44 = arith.mulf %mul3A_42, %mul3A_43 : vector<2048x128xf32>
    %get3A_45 = arith.constant 0 : index
    %get3A_46 = arith.constant 0 : index
    %get3A_47 = vector.load %arg9[%get3A_45, %get3A_46] : memref<1x128xf32, #tpu.memory_space<vmem>>, vector<1x128xf32>
    %add3A_48 = vector.broadcast %get3A_47 : vector<1x128xf32> to vector<2048x128xf32>
    %add3A_49 = arith.addf %mul3A_44, %add3A_48 : vector<2048x128xf32>
    %get3A_50 = arith.constant 0 : index
    %get3A_51 = arith.constant 0 : index
    %get3A_52 = vector.load %arg1[%get3A_50, %get3A_51] : memref<2048x128xf32, #tpu.memory_space<vmem>>, vector<2048x128xf32>
    %dot_general3A_53 = arith.constant dense<0.000000e+00> : vector<2048x128xf32>
    %dot_general3A_54 = tpu.matmul %get3A_52, %get3A_1, %dot_general3A_53 {dimension_numbers = #tpu.dot_dimension_numbers<[1], [0], [0], [1], [0, 0, 1, 1], [], []>, transpose_lhs_hint = false} : vector<2048x128xf32>, vector<128x128xf32>, vector<2048x128xf32> -> vector<2048x128xf32>
    %get3A_55 = arith.constant 0 : index
    %get3A_56 = arith.constant 0 : index
    %get3A_57 = vector.load %arg2[%get3A_55, %get3A_56] : memref<2048x128xf32, #tpu.memory_space<vmem>>, vector<2048x128xf32>
    %dot_general3A_58 = arith.constant dense<0.000000e+00> : vector<2048x128xf32>
    %dot_general3A_59 = tpu.matmul %get3A_57, %get3A_4, %dot_general3A_58 {dimension_numbers = #tpu.dot_dimension_numbers<[1], [0], [0], [1], [0, 0, 1, 1], [], []>, transpose_lhs_hint = false} : vector<2048x128xf32>, vector<128x128xf32>, vector<2048x128xf32> -> vector<2048x128xf32>
    %add3A_60 = arith.addf %dot_general3A_54, %dot_general3A_59 : vector<2048x128xf32>
    %dot_general3A_61 = arith.constant dense<0.000000e+00> : vector<2048x128xf32>
    %dot_general3A_62 = tpu.matmul %add3A_38, %get3A_7, %dot_general3A_61 {dimension_numbers = #tpu.dot_dimension_numbers<[1], [0], [0], [1], [0, 0, 1, 1], [], []>, transpose_lhs_hint = false} : vector<2048x128xf32>, vector<128x128xf32>, vector<2048x128xf32> -> vector<2048x128xf32>
    %add3A_63 = arith.addf %add3A_60, %dot_general3A_62 : vector<2048x128xf32>
    %dot_general3A_64 = arith.constant dense<0.000000e+00> : vector<2048x128xf32>
    %dot_general3A_65 = tpu.matmul %add3A_49, %get3A_10, %dot_general3A_64 {dimension_numbers = #tpu.dot_dimension_numbers<[1], [0], [0], [1], [0, 0, 1, 1], [], []>, transpose_lhs_hint = false} : vector<2048x128xf32>, vector<128x128xf32>, vector<2048x128xf32> -> vector<2048x128xf32>
    %add3A_66 = arith.addf %add3A_63, %dot_general3A_65 : vector<2048x128xf32>
    %get3A_67 = arith.constant 0 : index
    %get3A_68 = arith.constant 0 : index
    %get3A_69 = vector.load %arg11[%get3A_67, %get3A_68] : memref<1x128xf32, #tpu.memory_space<vmem>>, vector<1x128xf32>
    %add3A_70 = vector.broadcast %get3A_69 : vector<1x128xf32> to vector<2048x128xf32>
    %add3A_71 = arith.addf %add3A_66, %add3A_70 : vector<2048x128xf32>
    %swap3A = arith.constant 0 : index
    %swap3A_72 = arith.constant 0 : index
    %swap3A_73 = vector.load %arg12[%swap3A, %swap3A_72] : memref<2048x128xf32, #tpu.memory_space<vmem>>, vector<2048x128xf32>
    tpu.vector_store %arg12[%swap3A, %swap3A_72], %add3A_71 {strides = array<i32>} : memref<2048x128xf32, #tpu.memory_space<vmem>>, vector<2048x128xf32>,
    return
  }
  func.func @transform_0(%arg0: i32) -> (i32, i32) {
    %c0_i32 = arith.constant 0 : i32
    %c0_i32_0 = arith.constant 0 : i32
    return %arg0, %c0_i32 : i32, i32
  }
  func.func @transform_1(%arg0: i32) -> (i32, i32) {
    %c0_i32 = arith.constant 0 : i32
    %c0_i32_0 = arith.constant 0 : i32
    return %arg0, %c0_i32 : i32, i32
  }
  func.func @transform_2(%arg0: i32) -> (i32, i32) {
    %c0_i32 = arith.constant 0 : i32
    %c0_i32_0 = arith.constant 0 : i32
    return %c0_i32, %arg0 : i32, i32
  }
  func.func @transform_3(%arg0: i32) -> (i32, i32) {
    %c0_i32 = arith.constant 0 : i32
    %c0_i32_0 = arith.constant 0 : i32
    %c0_i32_1 = arith.constant 0 : i32
    return %c0_i32, %c0_i32_0 : i32, i32
  }
  func.func @transform_4(%arg0: i32) -> (i32, i32) {
    %c0_i32 = arith.constant 0 : i32
    %c0_i32_0 = arith.constant 0 : i32
    %c0_i32_1 = arith.constant 0 : i32
    return %c0_i32, %c0_i32_0 : i32, i32
  }
  func.func @transform_5(%arg0: i32) -> (i32, i32) {
    %c0_i32 = arith.constant 0 : i32
    %c0_i32_0 = arith.constant 0 : i32
    %c0_i32_1 = arith.constant 0 : i32
    return %c0_i32, %c0_i32_0 : i32, i32
  }
  func.func @transform_6(%arg0: i32) -> (i32, i32) {
    %c0_i32 = arith.constant 0 : i32
    %c0_i32_0 = arith.constant 0 : i32
    %c0_i32_1 = arith.constant 0 : i32
    return %c0_i32, %c0_i32_0 : i32, i32
  }
  func.func @transform_7(%arg0: i32) -> (i32, i32) {
    %c0_i32 = arith.constant 0 : i32
    %c0_i32_0 = arith.constant 0 : i32
    %c0_i32_1 = arith.constant 0 : i32
    return %c0_i32, %c0_i32_0 : i32, i32
  }
  func.func @transform_8(%arg0: i32) -> (i32, i32) {
    %c0_i32 = arith.constant 0 : i32
    %c0_i32_0 = arith.constant 0 : i32
    %c0_i32_1 = arith.constant 0 : i32
    return %c0_i32, %c0_i32_0 : i32, i32
  }
  func.func @transform_9(%arg0: i32) -> (i32, i32) {
    %c0_i32 = arith.constant 0 : i32
    %c0_i32_0 = arith.constant 0 : i32
    %c0_i32_1 = arith.constant 0 : i32
    return %c0_i32, %c0_i32_0 : i32, i32
  }
  func.func @transform_10(%arg0: i32) -> (i32, i32) {
    %c0_i32 = arith.constant 0 : i32
    %c0_i32_0 = arith.constant 0 : i32
    %c0_i32_1 = arith.constant 0 : i32
    return %c0_i32, %c0_i32_0 : i32, i32
  }
  func.func @transform_11(%arg0: i32) -> (i32, i32) {
    %c0_i32 = arith.constant 0 : i32
    %c0_i32_0 = arith.constant 0 : i32
    return %arg0, %c0_i32 : i32, i32
  }
}

</mosaic_0001>

<sc_bundles>
// kernel: kernel.4.cloned.1.call-start
scs
__scs_entry_jumppad:
0x0: {  	(pc) =	sbr.rel $0x88, $3  }
0x1: {  	(tag) =	ssettag $0x0;
	lr =	simm.s32 $0x1  }
0x2: {  	[smem:$0x3F93] =	sst lr;
	_ =	strace $0xD0000000  }
0x3: {  	_ = 	snop  }
0x4: {  	_ = 	snop  }
0x5: {  	_ = 	snop  }
0x6: {  	_ = 	snop  }
0x7: {  	_ = 	snop  }
__scs_overlays_trampoline_lowered:
0x8: {  	[smem:$0x3FA2] =	sst s0  }
0x9: {  	[smem:$0x3FA3] =	sst s1  }
0xa: {  	[smem:$0x3FA4] =	sst s2  }
0xb: {  	[smem:$0x3FA5] =	sst s3  }
0xc: {  	[smem:$0x3FA6] =	sst s4  }
0xd: {  	[smem:$0x3FA7] =	sst s5  }
0xe: {  	[smem:$0x3FA8] =	sst s6  }
0xf: {  	[smem:$0x3FA9] =	sst s7  }
0x10: {  	[smem:$0x3FAA] =	sst s8  }
0x11: {  	[smem:$0x3FAB] =	sst s9;
	s0 =	simm.s32 @!p0 $0x0  }
0x12: {  	s1 =	sld [smem:$0x3F91];
	s0 =	simm.s32 @p0 $0x1  }
0x13: {  	[smem:$0x3FAC] =	sst s0;
	s0 =	simm.s32 @!p1 $0x0  }
0x14: {  	s2 =	sld [smem:$0x3F90];
	s0 =	simm.s32 @p1 $0x1  }
0x15: {  	[smem:$0x3FAD] =	sst s0;
	s0 =	simm.s32 @!p2 $0x0  }
0x16: {  	s3 =	sld [smem:$0x3FDB];
	s0 =	simm.s32 @p2 $0x1  }
0x17: {  	s4 =	simm.s32 $0x1BF5;
	[smem:$0x3FAF] =	sst s0  }
0x18: {  	s0 =	sld [smem:$0x3F92];
	_ =	swait.ge [sflag:s4], $0x0  }
0x19: {  	s7 =	sld [smem:$0x3F93]  }
0x1a: {  	s8 =	sadd.s32 $0xFFFFE003, lr  }
0x1b: {  	s9 =	sadd.s32 $0xFFFFFEF7, lr;
	s5 =	simm.s32 $0xFFFFFFFF;
	p2 =	slt.u32 s8, $0xFFFFF086  }
0x1c: {  	p1 =	slt.u32 s9, $0xF7A;
	s5 =	simm.s32 @!p2 $0x0  }
0x1d: {  	s5 =	simm.s32 @p1 $0x1;
	p0 =	seq.s32 s7, s2  }
0x1e: {  	s7 =	smul.u32 @!p0 $0xF7A, s2;
	p2 =	seq.s32 @!p0 s5, $0x0  }
0x1f: {  	s9 =	smul.u32 $0xF7A, s1;
	s8 =	simm.s32 @!p0 $0x1BF5;
	p2 =	por !p2, p0  }
0x20: {  	[sflag:s8] =	ssyncset.s32 @!p0 $0xFFFFF086;
	s6 =	sadd.s32 @!p0 s3, s7;
	s7 =	simm.s32 @!p0 $0x108  }
0x21: {  	s3 =	sadd.s32 s3, s9;
	s6 =	sadd.s32 @!p0 $0x88, s6;
	s7 =	simm.s32 @p2 $0x1082  }
0x22: {  	[simem:s7], [sflag:s8] =	dma.local @!p0 [hbm:s6], $0xF7A  }
0x23: {  	s9 =	sor.u32 $0xD0000000, s2;
	s6 =	simm.s32 $0x108;
	_ =	swait.ge @!p0 [sflag:s8], $0x0  }
0x24: {  	s3 =	sadd.s32 $0x88, s3;
	s6 =	simm.s32 @!p1 $0x1082;
	[sflag:s4] =	ssyncset.s32 $0xFFFFF086  }
0x25: {  	[simem:s6], [sflag:s4] =	dma.local [hbm:s3], $0xF7A  }
0x26: {  	[smem:$0x3F93] =	sst s1;
	(tag) =	ssettag s2;
	_ =	strace s9  }
0x27: {  	s1 =	sld [smem:$0x3FA3]  }
0x28: {  	s2 =	sld [smem:$0x3FA4]  }
0x29: {  	s4 =	sld [smem:$0x3FA6]  }
0x2a: {  	p0 =	seq.s32 s5, $0x0;
	s5 =	sld [smem:$0x3FA7]  }
0x2b: {  	s6 =	sld [smem:$0x3FA8]  }
0x2c: {  	s7 =	sld [smem:$0x3FA9]  }
0x2d: {  	s3 =	simm.s32 $0x108;
	s8 =	sld [smem:$0x3FAA]  }
0x2e: {  	s3 =	simm.s32 @!p0 $0x1082;
	s9 =	sld [smem:$0x3FAB]  }
0x2f: {  	lr =	sadd.s32 s0, s3;
	s0 =	sld [smem:$0x3FA2]  }
0x30: {  	s3 =	sld [smem:$0x3FA5]  }
0x31: {  	[smem:$0x3FAE] =	sst s10  }
0x32: {  	s10 =	sld [smem:$0x3FAC];
	_ =	sdelay $0x3  }
0x33: {  	p0 =	seq.s32 s10, $0x1;
	s10 =	sld [smem:$0x3FAE];
	_ =	sdelay $0x3  }
0x34: {  	[smem:$0x3FAE] =	sst s10  }
0x35: {  	s10 =	sld [smem:$0x3FAD];
	_ =	sdelay $0x3  }
0x36: {  	p1 =	seq.s32 s10, $0x1;
	s10 =	sld [smem:$0x3FAE];
	_ =	sdelay $0x3  }
0x37: {  	[smem:$0x3FAE] =	sst s10  }
0x38: {  	s10 =	sld [smem:$0x3FAF]  }
0x39: {  	_ = 	snop;
	(pc) =	sbr.ind lr, $3  }
0x3a: {  	_ = 	snop  }
0x3b: {  	_ = 	snop  }
0x3c: {  	p2 =	seq.s32 s10, $0x1;
	s10 =	sld [smem:$0x3FAE]  }
0x3d: {  	_ =	shalt  }
0x3e: {  	_ =	shalt  }
0x3f: {  	_ =	shalt  }
0x40: {  	_ =	shalt  }
0x41: {  	_ =	shalt  }
0x42: {  	_ =	shalt  }
0x43: {  	_ =	shalt  }
0x44: {  	_ =	shalt  }
0x45: {  	_ =	shalt  }
0x46: {  	_ =	shalt  }
0x47: {  	_ =	shalt  }
0x48: {  	_ =	shalt  }
0x49: {  	_ =	shalt  }
0x4a: {  	_ =	shalt  }
0x4b: {  	_ =	shalt  }
0x4c: {  	_ =	shalt  }
0x4d: {  	_ =	shalt  }
0x4e: {  	_ =	shalt  }
0x4f: {  	_ =	shalt  }
0x50: {  	_ =	shalt  }
0x51: {  	_ =	shalt  }
0x52: {  	_ =	shalt  }
0x53: {  	_ =	shalt  }
0x54: {  	_ =	shalt  }
0x55: {  	_ =	shalt  }
0x56: {  	_ =	shalt  }
0x57: {  	_ =	shalt  }
0x58: {  	_ =	shalt  }
0x59: {  	_ =	shalt  }
0x5a: {  	_ =	shalt  }
0x5b: {  	_ =	shalt  }
0x5c: {  	_ =	shalt  }
0x5d: {  	_ =	shalt  }
0x5e: {  	_ =	shalt  }
0x5f: {  	_ =	shalt  }
0x60: {  	_ =	shalt  }
0x61: {  	_ =	shalt  }
0x62: {  	_ =	shalt  }
0x63: {  	_ =	shalt  }
0x64: {  	_ =	shalt  }
0x65: {  	_ =	shalt  }
0x66: {  	_ =	shalt  }
0x67: {  	_ =	shalt  }
0x68: {  	_ =	shalt  }
0x69: {  	_ =	shalt  }
0x6a: {  	_ =	shalt  }
0x6b: {  	_ =	shalt  }
0x6c: {  	_ =	shalt  }
0x6d: {  	_ =	shalt  }
0x6e: {  	_ =	shalt  }
0x6f: {  	_ =	shalt  }
0x70: {  	_ =	shalt  }
0x71: {  	_ =	shalt  }
0x72: {  	_ =	shalt  }
0x73: {  	_ =	shalt  }
0x74: {  	_ =	shalt  }
0x75: {  	_ =	shalt  }
0x76: {  	_ =	shalt  }
0x77: {  	_ =	shalt  }
0x78: {  	_ =	shalt  }
0x79: {  	_ =	shalt  }
0x7a: {  	_ =	shalt  }
0x7b: {  	_ =	shalt  }
0x7c: {  	_ =	shalt  }
0x7d: {  	_ =	shalt  }
0x7e: {  	_ =	shalt  }
0x7f: {  	_ =	shalt  }
0x80: {  	_ =	shalt  }
0x81: {  	_ =	shalt  }
0x82: {  	_ =	shalt  }
0x83: {  	_ =	shalt  }
0x84: {  	_ =	shalt  }
0x85: {  	_ =	shalt  }
0x86: {  	_ =	shalt  }
0x87: {  	_ =	shalt  }
.Lfunc_end0:
.L_simem_size_0:
called_computation_lowered:
.L_overlay_start_0:
0x88: {  	s2 =	sld [smem:$0x3FD9]  }
0x89: {  	s3 =	sld [smem:$0x3FFE];
	_ =	sdelay $0x1  }
0x8a: {  	s1 =	srdreg.scid  }
0x8b: {  	s0 =	sand.u32 $0x1, s1  }
0x8c: {  	s17 =	sshll.u32 s0, $0xA;
	s2 =	sadd.s32 s3, s2  }
0x8d: {  	s2 =	sadd.s32 s2, s17  }
0x8e: {  	[smem:$0x3FBA] =	sst s2  }
0x8f: {  	_ = 	snop  }
0x90: {  	s2 =	sld [smem:$0x3FC9]  }
0x91: {  	s18 =	sld [smem:$0x3FC8]  }
0x92: {  	s4 =	sld [smem:$0x3FC5]  }
0x93: {  	s5 =	sld [smem:$0x3FC4]  }
0x94: {  	s6 =	sld [smem:$0x3FD0];
	(tm) =	ssettm $0x1  }
0x95: {  	s7 =	sld [smem:$0x3FFB];
	_ =	sdelay $0x3  }
0x96: {  	_ =	strace s7  }
0x97: {  	s7 =	sld [smem:$0x3FFC];
	_ =	sdelay $0x3  }
0x98: {  	_ =	strace s7  }
0x99: {  	s7 =	sld [smem:$0x3FFD];
	_ =	sdelay $0x3  }
0x9a: {  	_ =	strace s7  }
0x9b: {  	_ =	strace $0x8FFFFFFF  }
0x9c: {  	s19 =	sld [smem:$0x3FDB];
	_ =	sdelay $0x1  }
0x9d: {  	s8 =	simm.s32 $_scs_section_size  }
0x9e: {  	s9 =	simm.s32 $_size__tile_overlayer_lowered;
	s10 =	simm.s32 $_tile_overlayer_lowered  }
0x9f: {  	s22 =	simm.s32 $0x1BFF;
	s21 =	sshll.u32 s10, $0x1;
	s7 =	sadd.s32 s8, s19  }
0xa0: {  	s11 =	simm.s32 $0x0;
	s20 =	sshll.u32 s9, $0x1;
	s9 =	sadd.s32 s21, s7  }
0xa1: {  	[timem:s11], [sflag:s22] =	dma.local [hbm:s9], s20  }
0xa2: {  	_ =	swait.ge [sflag:s22], s20  }
0xa3: {  	s8 =	ssub.s32 $0x0, s20;
	[sflag:s22] =	ssyncset.done $0x0  }
0xa4: {  	[sflag:s22] =	ssyncadd.s32 s8;
	_ =	sdelay $0x1  }
0xa5: {  	s23 =	simm.s32 $0x1B8B  }
0xa6: {  	_ =	swait.ge [sflag:s23], $0x1  }
0xa7: {  	[sflag:s23] =	ssyncset.done $0x0  }
0xa8: {  	s25 =	simm.s32 $0x1B8E;
	s24 =	sld [smem:$0x3FFE];
	[sflag:s23] =	ssyncadd.s32 $0xFFFFFFFF  }
0xa9: {  	s26 =	simm.s32 $execute0_lowered;
	[smem:$0x3FD2] =	sst s25  }
0xaa: {  	s9 =	sshll.u32 s26, $0x1;
	_ =	strace $0x80000046;
	[dreg:$0x1] =	wrdreg $0xFFFFFFFF  }
0xab: {  	s28 =	simm.s32 $_size_execute0_lowered;
	s7 =	sadd.s32 s7, s9;
	[dreg:$0x0] =	wrdreg $0x0  }
0xac: {  	s9 =	sshll.u32 s28, $0x1;
	[dreg:$0x2] =	wrdreg s7  }
0xad: {  	[dreg:$0x3] =	wrdreg s9  }
0xae: {  	[dreg:$0x4] =	wrdreg $0xC0  }
0xaf: {  	_ =	task [dreg:s11], $0x5FFFF  }
0xb0: {  	[dreg:$0x1] =	wrdreg $0xFFFFFFFF  }
0xb1: {  	[dreg:$0x0] =	wrdreg $0x60  }
0xb2: {  	[dreg:$0x2] =	wrdreg s4  }
0xb3: {  	[dreg:$0x3] =	wrdreg s2  }
0xb4: {  	[dreg:$0x4] =	wrdreg s5  }
0xb5: {  	[dreg:$0x5] =	wrdreg s18  }
0xb6: {  	[dreg:$0x6] =	wrdreg s6  }
0xb7: {  	[dreg:$0x7] =	wrdreg s24  }
0xb8: {  	[dreg:$0x8] =	wrdreg $0x9  }
0xb9: {  	_ =	task.clear_ibuf [dreg:s11], $0x9FFFF;
	_ =	strace $0x90000046  }
0xba: {  	s29 =	simm.s32 $0x9;
	_ =	strace $0x80000048  }
0xbb: {  	_ =	swait.ge [sflag:s29], $0x1  }
0xbc: {  	[sflag:s29] =	ssyncadd.s32 $0xFFFFFFFF  }
0xbd: {  	_ =	strace $0x90000048  }
0xbe: {  	_ =	sfence  }
0xbf: {  	s30 =	sld [smem:$0x0];
	_ =	sdelay $0x2  }
0xc0: {  	s31 =	sshll.u32 s1, $0xD;
	s1 =	sshrl.u32 s1, $0x2  }
0xc1: {  	s3 =	sand.u32 $0x4000, s31;
	s1 =	sadd.s32 s1, s30  }
0xc2: {  	s0 =	sor.u32 s3, s0;
	s1 =	sshll.u32 s1, $0x11  }
0xc3: {  	s0 =	sor.u32 s1, s0  }
0xc4: {  	s0 =	sadd.s32 $0x8F2B, s0  }
0xc5: {  	[sflag:s0] =	ssyncadd.remote.s32 $0x1  }
0xc6: {  	_ =	sfence.sel $0xFFFF  }
0xc7: {  	[dreg:$0x0] =	wrdreg $0xFFFFFFFF;
	(pc) =	sbr.abs _section_cstart, $3  }
0xc8: {  	[dreg:$0x1] =	wrdreg $0xFFFFFFFF  }
0xc9: {  	_ =	task.clear_ibuf [dreg:s11], $0x2FFFF;
	_ =	strace $0x9FFFFFFF  }
0xca: {  	(tm) =	ssettm $0x7FFFFFFF  }
0xcb: {  	_ =	shalt  }
tec
execute0_lowered:
.L_overlay_start_1:
0x0: {  	(tag) =	ssettag $0x1  }
0x1: {  	s1 =	rddreg [dreg:$0x0]  }
0x2: {  	s8 =	rddreg [dreg:$0x1]  }
0x3: {  	s2 =	rddreg [dreg:$0x2]  }
0x4: {  	s5 =	rddreg [dreg:$0x3]  }
0x5: {  	s21 =	rddreg [dreg:$0x4];
	s4 =	srdreg.scid  }
0x6: {  	s18 =	rddreg [dreg:$0x5];
	s3 =	stileid.u32;
	s22 =	sand.u32 $0x1, s4  }
0x7: {  	s4 =	simm.s32 $0x0;
	s6 =	sshll.u32 s3, $0xA;
	s7 =	sshll.u32 s22, $0x9  }
0x8: {  	[smem:$0x7FF] =	sst s4;
	s19 =	sor.u32 s7, s6  }
0x9: {  	s0 =	rddreg [dreg:$0x6];
	_ =	strace $0x80000047;
	s9 =	sshrl.u32 s19, $0x3  }
0xa: {  	s7 =	simm.s32 $0x200;
	s6 =	simm.s32 $0x2;
	s5 =	sadd.s32 s5, s9  }
0xb: {  	[tilespmem:s7], [sflag:$0x2] =	stream.linear.gather [hbm4b:s5+s4], $0x200, $0x38;
	[tilespmem:$0x10400] =	vst v63  }
0xc: {  	_ =	swait.ge [sflag:s6], $0x200  }
0xd: {  	[sflag:s6] =	ssyncset.done $0x0  }
0xe: {  	s8 =	sadd.s32 s8, s9;
	[sflag:s6] =	ssyncadd.s32 $0xFFFFFE00  }
0xf: {  	[tilespmem:s4], [sflag:$0x2] =	stream.linear.gather [hbm4b:s8+s4], $0x200, $0x38;
	[tilespmem:$0x10400] =	vst v63  }
0x10: {  	_ =	swait.ge [sflag:s6], $0x200  }
0x11: {  	[sflag:s6] =	ssyncset.done $0x0  }
0x12: {  	s10 =	simm.s32 $0x400;
	s9 =	simm.s32 $0x80;
	[sflag:s6] =	ssyncadd.s32 $0xFFFFFE00  }
0x13: {  	[tilespmem:s10], [sflag:$0x1] =	stream.indirect.gather [hbm4b:s2+s9], $0x80, s7, s9, $0xb8;
	[tilespmem:$0x10400] =	vst v63  }
0x14: {  	s11 =	simm.s32 $0x280;
	s12 =	simm.s32 $0x4400  }
0x15: {  	[tilespmem:s12], [sflag:$0x1] =	stream.indirect.gather [hbm4b:s2+s9], $0x80, s11, s9, $0xb8;
	[tilespmem:$0x10400] =	vst v63  }
0x16: {  	s13 =	simm.s32 $0x300;
	s14 =	simm.s32 $0x8400  }
0x17: {  	[tilespmem:s14], [sflag:$0x1] =	stream.indirect.gather [hbm4b:s2+s9], $0x80, s13, s9, $0xb8;
	[tilespmem:$0x10400] =	vst v63  }
0x18: {  	s15 =	simm.s32 $0x380;
	s16 =	simm.s32 $0xC400;
	s17 =	simm.s32 $0x1  }
0x19: {  	[tilespmem:s16], [sflag:$0x1] =	stream.indirect.gather [hbm4b:s2+s9], $0x80, s15, s9, $0xb8;
	[tilespmem:$0x10400] =	vst v63  }
0x1a: {  	_ =	swait.ge [sflag:s17], $0x4000  }
0x1b: {  	[sflag:s17] =	ssyncset.done $0x0  }
0x1c: {  	[sflag:s17] =	ssyncadd.s32 $0xFFFFC000  }
0x1d: {  	_ =	swait.ge [sflag:s17], $0x4000  }
0x1e: {  	[sflag:s17] =	ssyncset.done $0x0  }
0x1f: {  	[sflag:s17] =	ssyncadd.s32 $0xFFFFC000  }
0x20: {  	_ =	swait.ge [sflag:s17], $0x4000  }
0x21: {  	[sflag:s17] =	ssyncset.done $0x0  }
0x22: {  	[sflag:s17] =	ssyncadd.s32 $0xFFFFC000  }
0x23: {  	s23 =	sshll.u32 s19, $0x4;
	_ =	swait.ge [sflag:s17], $0x4000  }
0x24: {  	s18 =	sadd.s32 s23, s18;
	[sflag:s17] =	ssyncset.done $0x0  }
0x25: {  	s18 =	sadd.s32 $0x1C00, s18;
	[sflag:s17] =	ssyncadd.s32 $0xFFFFC000  }
0x26: {  	[hbm4b:s18+s4] =	stream.linear.scatter [tilespmem:s10], [sflag:$0x2], $0x10000, $0x38;
	[tilespmem:$0x10400] =	vst v63  }
0x27: {  	_ =	swait.ge [sflag:s6], $0x10000  }
0x28: {  	[sflag:s6] =	ssyncset.done $0x0  }
0x29: {  	[sflag:s6] =	ssyncadd.s32 $0xFFFF0000  }
0x2a: {  	[tilespmem:s10], [sflag:$0x1] =	stream.indirect.gather [hbm4b:s1+s9], $0x80, s4, s9, $0xb8;
	[tilespmem:$0x10400] =	vst v63  }
0x2b: {  	_ = 	snop  }
0x2c: {  	[tilespmem:s12], [sflag:$0x1] =	stream.indirect.gather [hbm4b:s1+s9], $0x80, s9, s9, $0xb8;
	[tilespmem:$0x10400] =	vst v63  }
0x2d: {  	s19 =	simm.s32 $0x100  }
0x2e: {  	[tilespmem:s14], [sflag:$0x1] =	stream.indirect.gather [hbm4b:s1+s9], $0x80, s19, s9, $0xb8;
	[tilespmem:$0x10400] =	vst v63  }
0x2f: {  	s20 =	simm.s32 $0x180  }
0x30: {  	[tilespmem:s16], [sflag:$0x1] =	stream.indirect.gather [hbm4b:s1+s9], $0x80, s20, s9, $0xb8;
	[tilespmem:$0x10400] =	vst v63  }
0x31: {  	_ =	swait.ge [sflag:s17], $0x4000  }
0x32: {  	[sflag:s17] =	ssyncset.done $0x0  }
0x33: {  	[sflag:s17] =	ssyncadd.s32 $0xFFFFC000  }
0x34: {  	_ =	swait.ge [sflag:s17], $0x4000  }
0x35: {  	[sflag:s17] =	ssyncset.done $0x0  }
0x36: {  	s22 =	ssub.s32 $0x2, s22;
	[sflag:s17] =	ssyncadd.s32 $0xFFFFC000  }
0x37: {  	s24 =	sshrl.u32 s22, $0x1;
	_ =	swait.ge [sflag:s17], $0x4000  }
0x38: {  	s22 =	ssub.s32 s22, s24;
	[sflag:s17] =	ssyncset.done $0x0  }
0x39: {  	s22 =	smax.u32 s22, $0x1;
	[sflag:s17] =	ssyncadd.s32 $0xFFFFC000  }
0x3a: {  	p0 =	sne.s32 s22, $0x1;
	_ =	swait.ge [sflag:s17], $0x4000  }
.Ltmp0:
0x3b: {  	[sflag:s17] =	ssyncset.done $0x0;
	(pc) =	sbr.rel @!p0 .LBB2_2-.Ltmp0, $4  }
0x3c: {  	s21 =	sadd.s32 s21, s23;
	[sflag:s17] =	ssyncadd.s32 $0xFFFFC000  }
0x3d: {  	[hbm4b:s21+s4] =	stream.linear.scatter [tilespmem:s10], [sflag:$0x2], $0x10000, $0x38;
	[tilespmem:$0x10400] =	vst v63  }
0x3e: {  	_ =	swait.ge [sflag:s6], $0x10000  }
0x3f: {  	s22 =	sadd.s32 $0xFFFFFFFF, s22;
	[sflag:s6] =	ssyncset.done $0x0  }
.LBB2_1:
0x40: {  	p0 =	sne.s32 s22, $0x1;
	s22 =	sadd.s32 $0xFFFFFFFF, s22;
	[sflag:s6] =	ssyncadd.s32 $0xFFFF0000  }
0x41: {  	[tilespmem:s7], [sflag:$0x2] =	stream.linear.gather [hbm4b:s5+s4], $0x200, $0x38;
	[tilespmem:$0x10400] =	vst v63  }
0x42: {  	_ =	swait.ge [sflag:s6], $0x200  }
0x43: {  	[sflag:s6] =	ssyncset.done $0x0  }
0x44: {  	[sflag:s6] =	ssyncadd.s32 $0xFFFFFE00  }
0x45: {  	[tilespmem:s4], [sflag:$0x2] =	stream.linear.gather [hbm4b:s8+s4], $0x200, $0x38;
	[tilespmem:$0x10400] =	vst v63  }
0x46: {  	_ =	swait.ge [sflag:s6], $0x200  }
0x47: {  	[sflag:s6] =	ssyncset.done $0x0  }
0x48: {  	[sflag:s6] =	ssyncadd.s32 $0xFFFFFE00  }
0x49: {  	[tilespmem:s10], [sflag:$0x1] =	stream.indirect.gather [hbm4b:s2+s9], $0x80, s7, s9, $0xb8;
	[tilespmem:$0x10400] =	vst v63  }
0x4a: {  	_ = 	snop  }
0x4b: {  	[tilespmem:s12], [sflag:$0x1] =	stream.indirect.gather [hbm4b:s2+s9], $0x80, s11, s9, $0xb8;
	[tilespmem:$0x10400] =	vst v63  }
0x4c: {  	_ = 	snop  }
0x4d: {  	[tilespmem:s14], [sflag:$0x1] =	stream.indirect.gather [hbm4b:s2+s9], $0x80, s13, s9, $0xb8;
	[tilespmem:$0x10400] =	vst v63  }
0x4e: {  	_ = 	snop  }
0x4f: {  	[tilespmem:s16], [sflag:$0x1] =	stream.indirect.gather [hbm4b:s2+s9], $0x80, s15, s9, $0xb8;
	[tilespmem:$0x10400] =	vst v63  }
0x50: {  	_ =	swait.ge [sflag:s17], $0x4000  }
0x51: {  	[sflag:s17] =	ssyncset.done $0x0  }
0x52: {  	[sflag:s17] =	ssyncadd.s32 $0xFFFFC000  }
0x53: {  	_ =	swait.ge [sflag:s17], $0x4000  }
0x54: {  	[sflag:s17] =	ssyncset.done $0x0  }
0x55: {  	[sflag:s17] =	ssyncadd.s32 $0xFFFFC000  }
0x56: {  	_ =	swait.ge [sflag:s17], $0x4000  }
0x57: {  	[sflag:s17] =	ssyncset.done $0x0  }
0x58: {  	[sflag:s17] =	ssyncadd.s32 $0xFFFFC000  }
0x59: {  	_ =	swait.ge [sflag:s17], $0x4000  }
0x5a: {  	[sflag:s17] =	ssyncset.done $0x0  }
0x5b: {  	[sflag:s17] =	ssyncadd.s32 $0xFFFFC000  }
0x5c: {  	[hbm4b:s18+s4] =	stream.linear.scatter [tilespmem:s10], [sflag:$0x2], $0x10000, $0x38;
	[tilespmem:$0x10400] =	vst v63  }
0x5d: {  	_ =	swait.ge [sflag:s6], $0x10000  }
0x5e: {  	[sflag:s6] =	ssyncset.done $0x0  }
0x5f: {  	[sflag:s6] =	ssyncadd.s32 $0xFFFF0000  }
0x60: {  	[tilespmem:s10], [sflag:$0x1] =	stream.indirect.gather [hbm4b:s1+s9], $0x80, s4, s9, $0xb8;
	[tilespmem:$0x10400] =	vst v63  }
0x61: {  	_ = 	snop  }
0x62: {  	[tilespmem:s12], [sflag:$0x1] =	stream.indirect.gather [hbm4b:s1+s9], $0x80, s9, s9, $0xb8;
	[tilespmem:$0x10400] =	vst v63  }
0x63: {  	_ = 	snop  }
0x64: {  	[tilespmem:s14], [sflag:$0x1] =	stream.indirect.gather [hbm4b:s1+s9], $0x80, s19, s9, $0xb8;
	[tilespmem:$0x10400] =	vst v63  }
0x65: {  	_ = 	snop  }
0x66: {  	[tilespmem:s16], [sflag:$0x1] =	stream.indirect.gather [hbm4b:s1+s9], $0x80, s20, s9, $0xb8;
	[tilespmem:$0x10400] =	vst v63  }
0x67: {  	_ =	swait.ge [sflag:s17], $0x4000  }
0x68: {  	[sflag:s17] =	ssyncset.done $0x0  }
0x69: {  	[sflag:s17] =	ssyncadd.s32 $0xFFFFC000  }
0x6a: {  	_ =	swait.ge [sflag:s17], $0x4000  }
0x6b: {  	[sflag:s17] =	ssyncset.done $0x0  }
0x6c: {  	[sflag:s17] =	ssyncadd.s32 $0xFFFFC000  }
0x6d: {  	_ =	swait.ge [sflag:s17], $0x4000  }
0x6e: {  	[sflag:s17] =	ssyncset.done $0x0  }
0x6f: {  	[sflag:s17] =	ssyncadd.s32 $0xFFFFC000  }
0x70: {  	_ =	swait.ge [sflag:s17], $0x4000  }
.Ltmp1:
0x71: {  	[sflag:s17] =	ssyncset.done $0x0;
	(pc) =	sbr.rel @p0 .LBB2_1-.Ltmp1, $4  }
0x72: {  	[sflag:s17] =	ssyncadd.s32 $0xFFFFC000  }
0x73: {  	[hbm4b:s21+s4] =	stream.linear.scatter [tilespmem:s10], [sflag:$0x2], $0x10000, $0x38;
	[tilespmem:$0x10400] =	vst v63  }
0x74: {  	_ =	swait.ge [sflag:s6], $0x10000  }
0x75: {  	[sflag:s6] =	ssyncset.done $0x0  }
.LBB2_2:
0x76: {  	[sflag:s6] =	ssyncadd.s32 $0xFFFF0000  }
0x77: {  	_ =	sfence.sel $0x180000  }
0x78: {  	[bflag:$0x0] =	sbarrier.arrive $0xFFFF  }
0x79: {  	p0 =	sne.s32 s3, $0x0;
	_ =	strace $0x90000047  }
0x7a: {  	s0 =	sadd.s32 @!p0 $0x100000, s0;
	[bflag:$0x2] =	sbarrier.arrive $0xFFFF  }
0x7b: {  	[sflag:s0] =	ssyncadd.tile.s32 @!p0 $0x1;
	_ =	shalt  }
.Lfunc_end2:
_tile_overlayer_lowered:
.L_overlay_start_2:
0x7c: {  	(tag) =	ssettag $0x2  }
0x7d: {  	s0 =	rddreg [dreg:$0x0];
	s2 =	stileid.u32  }
0x7e: {  	s1 =	rddreg [dreg:$0x1];
	p0 =	sne.s32 s2, $0x0  }
0x7f: {  	s3 =	rddreg [dreg:$0x2];
	[bflag:$0x3] =	sbarrier.arrive $0xFFFF;
	s2 =	simm.s32 @!p0 $0x1C02  }
0x80: {  	[timem:s3], [sflag:s2] =	dma.local @!p0 [hbm:s0], s1  }
0x81: {  	s0 =	simm.s32 @!p0 $0x2  }
0x82: {  	_ =	swait.ge @!p0 [sflag:s0], s1  }
0x83: {  	s1 =	ssub.s32 @!p0 $0x0, s1;
	[sflag:s0] =	ssyncset.done @!p0 $0x0  }
0x84: {  	[sflag:s0] =	ssyncadd.s32 @!p0 s1  }
0x85: {  	[bflag:$0x3] =	sbarrier.arrive $0xFFFF  }
0x86: {  	_ =	shalt  }

</sc_bundles>
